<compile_context>
chip_gen: v7x
topology: tpu7x:2x2x1
jax: 0.10.2.dev20260603
libtpu: 0.0.44.dev20260713+nightly
codegen_flags: <defaults>
</compile_context>

<pallas_src>
import functools

import jax
import jax.numpy as jnp
from jax import lax
from jax.experimental import pallas as pl
from jax.experimental.pallas import tpu as pltpu
from jax.experimental.pallas import tpu_sc as plsc

_CHUNK = 128


def _copy_body(in_ref, out_ref):
    out_ref[...] = in_ref[...]


def _tc_copy(frames):
    C, T, H, W = frames.shape
    return pl.pallas_call(
        _copy_body,
        grid=(T,),
        in_specs=[pl.BlockSpec((C, 1, H, W), lambda t: (0, t, 0, 0))],
        out_specs=pl.BlockSpec((C, 1, H, W), lambda t: (0, t, 0, 0)),
        out_shape=jax.ShapeDtypeStruct((C, T, H, W), frames.dtype),
    )(frames)


def _sc_gather(table, idx_arr, n_out_rows, n_chunks):
    W = table.shape[-1]
    mesh = plsc.VectorSubcoreMesh(core_axis_name="c", subcore_axis_name="s")
    num_cores = mesh.num_cores

    @functools.partial(
        pl.kernel,
        out_type=jax.ShapeDtypeStruct((n_out_rows, W), table.dtype),
        mesh=mesh,
        scratch_types=[
            pltpu.VMEM((n_chunks, _CHUNK), jnp.int32),
            pltpu.VMEM((n_chunks, _CHUNK, W), table.dtype),
            pltpu.SemaphoreType.DMA,
        ],
    )
    def gather_kernel(table_hbm, idx_hbm, out_hbm, idx_v, rows_v, sem):
        wid = lax.axis_index("s") * num_cores + lax.axis_index("c")
        pltpu.sync_copy(idx_hbm.at[wid], idx_v)
        gathers = [
            pltpu.async_copy(table_hbm.at[idx_v.at[j]], rows_v.at[j], sem)
            for j in range(n_chunks)
        ]
        for g in gathers:
            g.wait()
        base = wid * (n_chunks * _CHUNK)
        writes = [
            pltpu.async_copy(
                rows_v.at[j], out_hbm.at[pl.ds(base + j * _CHUNK, _CHUNK)], sem
            )
            for j in range(n_chunks)
        ]
        for w in writes:
            w.wait()

    return gather_kernel(table, idx_arr)


def kernel(frames, slowfast_alpha):
    del slowfast_alpha
    C, T, H, W = frames.shape
    num = T // 4
    idx = jnp.linspace(0.0, T - 1, num).astype(jnp.int32)

    frame_rows = (jnp.arange(C, dtype=jnp.int32)[:, None] * T + idx[None, :]).reshape(-1)
    row_idx = (
        frame_rows[:, None] * H + jnp.arange(H, dtype=jnp.int32)[None, :]
    ).reshape(-1)
    n_out_rows = C * num * H
    info = plsc.get_sparse_core_info()
    n_workers = info.num_cores * info.num_subcores
    n_chunks = n_out_rows // (n_workers * _CHUNK)
    idx_arr = row_idx.reshape(n_workers, n_chunks, _CHUNK)

    table = frames.reshape(C * T * H, W)
    slow = _sc_gather(table, idx_arr, n_out_rows, n_chunks).reshape(C, num, H, W)
    fast = _tc_copy(frames)
    return (slow, fast)

# --- scband reference (transcript-rebuilt; emitter-appended) ---
"""Pipeline reference for scband-pack-pathway-16484084483305 (READ-ONLY COPY).

The authoritative reference and input builder live on the scoring server;
editing this copy changes nothing except your own understanding.
"""

import jax, jax.numpy as jnp
import numpy as np


def setup_inputs(seed: int = 0) -> dict:
    key = jax.random.key(seed)
    frames = jax.random.normal(key, (3, 64, 256, 256), dtype=jnp.float32)
    return {"frames": frames, "slowfast_alpha": 4}


def reference(frames, slowfast_alpha):
    # fast pathway is the full frame tensor
    fast_pathway = frames
    T = frames.shape[1]
    # torch.linspace(0, T-1, T//alpha).long() -> floor of evenly spaced floats
    num = T // 4
    idx = jnp.linspace(0.0, T - 1, num).astype(jnp.int32)
    idx = idx * (slowfast_alpha // slowfast_alpha)
    slow_pathway = jnp.take(frames, idx, axis=1)
    return (slow_pathway, fast_pathway)

if __name__ == "__main__":
    import jax
    _d = setup_inputs()
    print(jax.jit(kernel)(*tuple(_d.values())))

</pallas_src>

<mosaic_0001>
#map = affine_map<(d0, d1) -> (0, 0)>
#map1 = affine_map<(d0, d1) -> (0, 0, 0)>
module attributes {stable_mosaic.version = 14 : i64} {
  func.func @gather_kernel(%arg0: i32, %arg1: i32, %arg2: memref<49152x256xf32, #tpu.memory_space<hbm>>, %arg3: memref<32x3x128xi32, #tpu.memory_space<hbm>>, %arg4: memref<12288x256xf32, #tpu.memory_space<hbm>>, %arg5: memref<3x128xi32, #tpu.memory_space<vmem>>, %arg6: memref<3x128x256xf32, #tpu.memory_space<vmem>>, %arg7: memref<!tpu.dma_semaphore, #tpu.memory_space<semaphore_mem>>) attributes {dimension_semantics = [#tpu.dimension_semantics<core_parallel>, #tpu.dimension_semantics<subcore_parallel>], iteration_bounds = array<i64: 2, 16>, scalar_prefetch = 0 : i64, scratch_operands = 3 : i64, tpu.core_type = #tpu.core_type<sc_vector_subcore>, window_params = [{transform_indices = #map}, {transform_indices = #map1}, {transform_indices = #map}]} {
    %mul3A = arith.constant 2 : i32
    %mul3A_0 = arith.muli %arg1, %mul3A : i32
    %add3A = arith.addi %mul3A_0, %arg0 : i32
    "tpu.region"() ({
      %run_scoped3A = tpu.sem_alloc : memref<!tpu.dma_semaphore, #tpu.memory_space<semaphore_mem>>
      %dma_start3A_157 = arith.constant 0 : i32
      %dma_start3A_158 = arith.constant 0 : i32
      %dma_start3A_159 = tpu.memref_slice %arg3[%add3A, %dma_start3A_157, %dma_start3A_158] : memref<32x3x128xi32, #tpu.memory_space<hbm>> -> memref<1x3x128xi32, #tpu.memory_space<hbm>>
      %dma_start3A_160 = tpu.memref_squeeze %dma_start3A_159 : memref<1x3x128xi32, #tpu.memory_space<hbm>> -> memref<3x128xi32, #tpu.memory_space<hbm>>
      %dma_start3A_161 = arith.constant 0 : i32
      %dma_start3A_162 = arith.constant 0 : i32
      %dma_start3A_163 = tpu.memref_slice %arg3[%add3A, %dma_start3A_161, %dma_start3A_162] : memref<32x3x128xi32, #tpu.memory_space<hbm>> -> memref<1x3x128xi32, #tpu.memory_space<hbm>>
      %dma_start3A_164 = tpu.memref_squeeze %dma_start3A_163 : memref<1x3x128xi32, #tpu.memory_space<hbm>> -> memref<3x128xi32, #tpu.memory_space<hbm>>
      tpu.enqueue_dma source(%dma_start3A_164 : memref<3x128xi32, #tpu.memory_space<hbm>>) target(%arg5 : memref<3x128xi32, #tpu.memory_space<vmem>>) target_semaphore(%run_scoped3A : memref<!tpu.dma_semaphore, #tpu.memory_space<semaphore_mem>>)
      %dma_wait3A_165 = arith.constant 0 : i32
      %dma_wait3A_166 = arith.constant 0 : i32
      %dma_wait3A_167 = tpu.memref_slice %arg3[%add3A, %dma_wait3A_165, %dma_wait3A_166] : memref<32x3x128xi32, #tpu.memory_space<hbm>> -> memref<1x3x128xi32, #tpu.memory_space<hbm>>
      %dma_wait3A_168 = tpu.memref_squeeze %dma_wait3A_167 : memref<1x3x128xi32, #tpu.memory_space<hbm>> -> memref<3x128xi32, #tpu.memory_space<hbm>>
      %dma_wait3A_169 = arith.constant 0 : i32
      %dma_wait3A_170 = arith.constant 0 : i32
      %dma_wait3A_171 = tpu.memref_slice %arg3[%add3A, %dma_wait3A_169, %dma_wait3A_170] : memref<32x3x128xi32, #tpu.memory_space<hbm>> -> memref<1x3x128xi32, #tpu.memory_space<hbm>>
      %dma_wait3A_172 = tpu.memref_squeeze %dma_wait3A_171 : memref<1x3x128xi32, #tpu.memory_space<hbm>> -> memref<3x128xi32, #tpu.memory_space<hbm>>
      tpu.wait_dma2 semaphore(%run_scoped3A : memref<!tpu.dma_semaphore, #tpu.memory_space<semaphore_mem>>) src(%dma_wait3A_172 : memref<3x128xi32, #tpu.memory_space<hbm>>) dst(%arg5 : memref<3x128xi32, #tpu.memory_space<vmem>>)
      tpu.yield
    }) : () -> ()
    %dma_start3A = arith.constant 0 : i32
    %dma_start3A_1 = arith.constant 0 : i32
    %dma_start3A_2 = arith.constant 0 : i32
    %dma_start3A_3 = arith.constant 0 : i32
    %dma_start3A_4 = tpu.memref_slice %arg6[%dma_start3A_1, %dma_start3A_2, %dma_start3A_3] : memref<3x128x256xf32, #tpu.memory_space<vmem>> -> memref<1x128x256xf32, #tpu.memory_space<vmem>>
    %dma_start3A_5 = tpu.memref_squeeze %dma_start3A_4 : memref<1x128x256xf32, #tpu.memory_space<vmem>> -> memref<128x256xf32, #tpu.memory_space<vmem>>
    %dma_start3A_6 = arith.constant 0 : i32
    %dma_start3A_7 = tpu.memref_slice %arg5[%dma_start3A, %dma_start3A_6] : memref<3x128xi32, #tpu.memory_space<vmem>> -> memref<1x128xi32, #tpu.memory_space<vmem>>
    %dma_start3A_8 = tpu.memref_squeeze %dma_start3A_7 : memref<1x128xi32, #tpu.memory_space<vmem>> -> memref<128xi32, #tpu.memory_space<vmem>>
    %dma_start3A_9 = arith.constant 0 : i32
    %dma_start3A_10 = arith.constant 0 : i32
    %dma_start3A_11 = tpu.memref_slice %arg2[%dma_start3A_9, %dma_start3A_10] : memref<49152x256xf32, #tpu.memory_space<hbm>> -> memref<49152x256xf32, #tpu.memory_space<hbm>>
    tpu.enqueue_indirect_dma source(%dma_start3A_11 : memref<49152x256xf32, #tpu.memory_space<hbm>>) target(%dma_start3A_5 : memref<128x256xf32, #tpu.memory_space<vmem>>) offsets(%dma_start3A_8 : memref<128xi32, #tpu.memory_space<vmem>>) semaphore(%arg7 : memref<!tpu.dma_semaphore, #tpu.memory_space<semaphore_mem>>)
    %dma_start3A_12 = arith.constant 1 : i32
    %dma_start3A_13 = arith.constant 1 : i32
    %dma_start3A_14 = arith.constant 0 : i32
    %dma_start3A_15 = arith.constant 0 : i32
    %dma_start3A_16 = tpu.memref_slice %arg6[%dma_start3A_13, %dma_start3A_14, %dma_start3A_15] : memref<3x128x256xf32, #tpu.memory_space<vmem>> -> memref<1x128x256xf32, #tpu.memory_space<vmem>>
    %dma_start3A_17 = tpu.memref_squeeze %dma_start3A_16 : memref<1x128x256xf32, #tpu.memory_space<vmem>> -> memref<128x256xf32, #tpu.memory_space<vmem>>
    %dma_start3A_18 = arith.constant 0 : i32
    %dma_start3A_19 = tpu.memref_slice %arg5[%dma_start3A_12, %dma_start3A_18] : memref<3x128xi32, #tpu.memory_space<vmem>> -> memref<1x128xi32, #tpu.memory_space<vmem>>
    %dma_start3A_20 = tpu.memref_squeeze %dma_start3A_19 : memref<1x128xi32, #tpu.memory_space<vmem>> -> memref<128xi32, #tpu.memory_space<vmem>>
    %dma_start3A_21 = arith.constant 0 : i32
    %dma_start3A_22 = arith.constant 0 : i32
    %dma_start3A_23 = tpu.memref_slice %arg2[%dma_start3A_21, %dma_start3A_22] : memref<49152x256xf32, #tpu.memory_space<hbm>> -> memref<49152x256xf32, #tpu.memory_space<hbm>>
    tpu.enqueue_indirect_dma source(%dma_start3A_23 : memref<49152x256xf32, #tpu.memory_space<hbm>>) target(%dma_start3A_17 : memref<128x256xf32, #tpu.memory_space<vmem>>) offsets(%dma_start3A_20 : memref<128xi32, #tpu.memory_space<vmem>>) semaphore(%arg7 : memref<!tpu.dma_semaphore, #tpu.memory_space<semaphore_mem>>)
    %dma_start3A_24 = arith.constant 2 : i32
    %dma_start3A_25 = arith.constant 2 : i32
    %dma_start3A_26 = arith.constant 0 : i32
    %dma_start3A_27 = arith.constant 0 : i32
    %dma_start3A_28 = tpu.memref_slice %arg6[%dma_start3A_25, %dma_start3A_26, %dma_start3A_27] : memref<3x128x256xf32, #tpu.memory_space<vmem>> -> memref<1x128x256xf32, #tpu.memory_space<vmem>>
    %dma_start3A_29 = tpu.memref_squeeze %dma_start3A_28 : memref<1x128x256xf32, #tpu.memory_space<vmem>> -> memref<128x256xf32, #tpu.memory_space<vmem>>
    %dma_start3A_30 = arith.constant 0 : i32
    %dma_start3A_31 = tpu.memref_slice %arg5[%dma_start3A_24, %dma_start3A_30] : memref<3x128xi32, #tpu.memory_space<vmem>> -> memref<1x128xi32, #tpu.memory_space<vmem>>
    %dma_start3A_32 = tpu.memref_squeeze %dma_start3A_31 : memref<1x128xi32, #tpu.memory_space<vmem>> -> memref<128xi32, #tpu.memory_space<vmem>>
    %dma_start3A_33 = arith.constant 0 : i32
    %dma_start3A_34 = arith.constant 0 : i32
    %dma_start3A_35 = tpu.memref_slice %arg2[%dma_start3A_33, %dma_start3A_34] : memref<49152x256xf32, #tpu.memory_space<hbm>> -> memref<49152x256xf32, #tpu.memory_space<hbm>>
    tpu.enqueue_indirect_dma source(%dma_start3A_35 : memref<49152x256xf32, #tpu.memory_space<hbm>>) target(%dma_start3A_29 : memref<128x256xf32, #tpu.memory_space<vmem>>) offsets(%dma_start3A_32 : memref<128xi32, #tpu.memory_space<vmem>>) semaphore(%arg7 : memref<!tpu.dma_semaphore, #tpu.memory_space<semaphore_mem>>)
    %dma_wait3A = arith.constant 0 : i32
    %dma_wait3A_36 = arith.constant 0 : i32
    %dma_wait3A_37 = arith.constant 0 : i32
    %dma_wait3A_38 = arith.constant 0 : i32
    %dma_wait3A_39 = tpu.memref_slice %arg6[%dma_wait3A_36, %dma_wait3A_37, %dma_wait3A_38] : memref<3x128x256xf32, #tpu.memory_space<vmem>> -> memref<1x128x256xf32, #tpu.memory_space<vmem>>
    %dma_wait3A_40 = tpu.memref_squeeze %dma_wait3A_39 : memref<1x128x256xf32, #tpu.memory_space<vmem>> -> memref<128x256xf32, #tpu.memory_space<vmem>>
    %dma_wait3A_41 = arith.constant 0 : i32
    %dma_wait3A_42 = tpu.memref_slice %arg5[%dma_wait3A, %dma_wait3A_41] : memref<3x128xi32, #tpu.memory_space<vmem>> -> memref<1x128xi32, #tpu.memory_space<vmem>>
    %dma_wait3A_43 = tpu.memref_squeeze %dma_wait3A_42 : memref<1x128xi32, #tpu.memory_space<vmem>> -> memref<128xi32, #tpu.memory_space<vmem>>
    %dma_wait3A_44 = arith.constant 0 : i32
    %dma_wait3A_45 = arith.constant 0 : i32
    %dma_wait3A_46 = tpu.memref_slice %arg2[%dma_wait3A_44, %dma_wait3A_45] : memref<49152x256xf32, #tpu.memory_space<hbm>> -> memref<49152x256xf32, #tpu.memory_space<hbm>>
    tpu.wait_indirect_dma semaphore(%arg7 : memref<!tpu.dma_semaphore, #tpu.memory_space<semaphore_mem>>) src(%dma_wait3A_46 : memref<49152x256xf32, #tpu.memory_space<hbm>>) dst(%dma_wait3A_40 : memref<128x256xf32, #tpu.memory_space<vmem>>)
    %dma_wait3A_47 = arith.constant 1 : i32
    %dma_wait3A_48 = arith.constant 1 : i32
    %dma_wait3A_49 = arith.constant 0 : i32
    %dma_wait3A_50 = arith.constant 0 : i32
    %dma_wait3A_51 = tpu.memref_slice %arg6[%dma_wait3A_48, %dma_wait3A_49, %dma_wait3A_50] : memref<3x128x256xf32, #tpu.memory_space<vmem>> -> memref<1x128x256xf32, #tpu.memory_space<vmem>>
    %dma_wait3A_52 = tpu.memref_squeeze %dma_wait3A_51 : memref<1x128x256xf32, #tpu.memory_space<vmem>> -> memref<128x256xf32, #tpu.memory_space<vmem>>
    %dma_wait3A_53 = arith.constant 0 : i32
    %dma_wait3A_54 = tpu.memref_slice %arg5[%dma_wait3A_47, %dma_wait3A_53] : memref<3x128xi32, #tpu.memory_space<vmem>> -> memref<1x128xi32, #tpu.memory_space<vmem>>
    %dma_wait3A_55 = tpu.memref_squeeze %dma_wait3A_54 : memref<1x128xi32, #tpu.memory_space<vmem>> -> memref<128xi32, #tpu.memory_space<vmem>>
    %dma_wait3A_56 = arith.constant 0 : i32
    %dma_wait3A_57 = arith.constant 0 : i32
    %dma_wait3A_58 = tpu.memref_slice %arg2[%dma_wait3A_56, %dma_wait3A_57] : memref<49152x256xf32, #tpu.memory_space<hbm>> -> memref<49152x256xf32, #tpu.memory_space<hbm>>
    tpu.wait_indirect_dma semaphore(%arg7 : memref<!tpu.dma_semaphore, #tpu.memory_space<semaphore_mem>>) src(%dma_wait3A_58 : memref<49152x256xf32, #tpu.memory_space<hbm>>) dst(%dma_wait3A_52 : memref<128x256xf32, #tpu.memory_space<vmem>>)
    %dma_wait3A_59 = arith.constant 2 : i32
    %dma_wait3A_60 = arith.constant 2 : i32
    %dma_wait3A_61 = arith.constant 0 : i32
    %dma_wait3A_62 = arith.constant 0 : i32
    %dma_wait3A_63 = tpu.memref_slice %arg6[%dma_wait3A_60, %dma_wait3A_61, %dma_wait3A_62] : memref<3x128x256xf32, #tpu.memory_space<vmem>> -> memref<1x128x256xf32, #tpu.memory_space<vmem>>
    %dma_wait3A_64 = tpu.memref_squeeze %dma_wait3A_63 : memref<1x128x256xf32, #tpu.memory_space<vmem>> -> memref<128x256xf32, #tpu.memory_space<vmem>>
    %dma_wait3A_65 = arith.constant 0 : i32
    %dma_wait3A_66 = tpu.memref_slice %arg5[%dma_wait3A_59, %dma_wait3A_65] : memref<3x128xi32, #tpu.memory_space<vmem>> -> memref<1x128xi32, #tpu.memory_space<vmem>>
    %dma_wait3A_67 = tpu.memref_squeeze %dma_wait3A_66 : memref<1x128xi32, #tpu.memory_space<vmem>> -> memref<128xi32, #tpu.memory_space<vmem>>
    %dma_wait3A_68 = arith.constant 0 : i32
    %dma_wait3A_69 = arith.constant 0 : i32
    %dma_wait3A_70 = tpu.memref_slice %arg2[%dma_wait3A_68, %dma_wait3A_69] : memref<49152x256xf32, #tpu.memory_space<hbm>> -> memref<49152x256xf32, #tpu.memory_space<hbm>>
    tpu.wait_indirect_dma semaphore(%arg7 : memref<!tpu.dma_semaphore, #tpu.memory_space<semaphore_mem>>) src(%dma_wait3A_70 : memref<49152x256xf32, #tpu.memory_space<hbm>>) dst(%dma_wait3A_64 : memref<128x256xf32, #tpu.memory_space<vmem>>)
    %mul3A_71 = arith.constant 384 : i32
    %mul3A_72 = arith.muli %add3A, %mul3A_71 : i32
    %add3A_73 = arith.constant 0 : i32
    %add3A_74 = arith.addi %mul3A_72, %add3A_73 : i32
    %dma_start3A_75 = arith.constant 0 : i32
    %dma_start3A_76 = arith.constant 0 : i32
    %dma_start3A_77 = arith.constant 0 : i32
    %dma_start3A_78 = tpu.memref_slice %arg6[%dma_start3A_75, %dma_start3A_76, %dma_start3A_77] : memref<3x128x256xf32, #tpu.memory_space<vmem>> -> memref<1x128x256xf32, #tpu.memory_space<vmem>>
    %dma_start3A_79 = tpu.memref_squeeze %dma_start3A_78 : memref<1x128x256xf32, #tpu.memory_space<vmem>> -> memref<128x256xf32, #tpu.memory_space<vmem>>
    %dma_start3A_80 = arith.constant 0 : i32
    %dma_start3A_81 = tpu.memref_slice %arg4[%add3A_74, %dma_start3A_80] : memref<12288x256xf32, #tpu.memory_space<hbm>> -> memref<128x256xf32, #tpu.memory_space<hbm>>
    %dma_start3A_82 = arith.constant 0 : i32
    %dma_start3A_83 = tpu.memref_slice %arg4[%add3A_74, %dma_start3A_82] : memref<12288x256xf32, #tpu.memory_space<hbm>> -> memref<128x256xf32, #tpu.memory_space<hbm>>
    %dma_start3A_84 = arith.constant 0 : i32
    %dma_start3A_85 = arith.constant 0 : i32
    %dma_start3A_86 = tpu.memref_slice %arg6[%dma_start3A_75, %dma_start3A_84, %dma_start3A_85] : memref<3x128x256xf32, #tpu.memory_space<vmem>> -> memref<1x128x256xf32, #tpu.memory_space<vmem>>
    %dma_start3A_87 = tpu.memref_squeeze %dma_start3A_86 : memref<1x128x256xf32, #tpu.memory_space<vmem>> -> memref<128x256xf32, #tpu.memory_space<vmem>>
    tpu.enqueue_dma source(%dma_start3A_87 : memref<128x256xf32, #tpu.memory_space<vmem>>) target(%dma_start3A_83 : memref<128x256xf32, #tpu.memory_space<hbm>>) target_semaphore(%arg7 : memref<!tpu.dma_semaphore, #tpu.memory_space<semaphore_mem>>)
    %add3A_88 = arith.constant 128 : i32
    %add3A_89 = arith.addi %mul3A_72, %add3A_88 : i32
    %dma_start3A_90 = arith.constant 1 : i32
    %dma_start3A_91 = arith.constant 0 : i32
    %dma_start3A_92 = arith.constant 0 : i32
    %dma_start3A_93 = tpu.memref_slice %arg6[%dma_start3A_90, %dma_start3A_91, %dma_start3A_92] : memref<3x128x256xf32, #tpu.memory_space<vmem>> -> memref<1x128x256xf32, #tpu.memory_space<vmem>>
    %dma_start3A_94 = tpu.memref_squeeze %dma_start3A_93 : memref<1x128x256xf32, #tpu.memory_space<vmem>> -> memref<128x256xf32, #tpu.memory_space<vmem>>
    %dma_start3A_95 = arith.constant 0 : i32
    %dma_start3A_96 = tpu.memref_slice %arg4[%add3A_89, %dma_start3A_95] : memref<12288x256xf32, #tpu.memory_space<hbm>> -> memref<128x256xf32, #tpu.memory_space<hbm>>
    %dma_start3A_97 = arith.constant 0 : i32
    %dma_start3A_98 = tpu.memref_slice %arg4[%add3A_89, %dma_start3A_97] : memref<12288x256xf32, #tpu.memory_space<hbm>> -> memref<128x256xf32, #tpu.memory_space<hbm>>
    %dma_start3A_99 = arith.constant 0 : i32
    %dma_start3A_100 = arith.constant 0 : i32
    %dma_start3A_101 = tpu.memref_slice %arg6[%dma_start3A_90, %dma_start3A_99, %dma_start3A_100] : memref<3x128x256xf32, #tpu.memory_space<vmem>> -> memref<1x128x256xf32, #tpu.memory_space<vmem>>
    %dma_start3A_102 = tpu.memref_squeeze %dma_start3A_101 : memref<1x128x256xf32, #tpu.memory_space<vmem>> -> memref<128x256xf32, #tpu.memory_space<vmem>>
    tpu.enqueue_dma source(%dma_start3A_102 : memref<128x256xf32, #tpu.memory_space<vmem>>) target(%dma_start3A_98 : memref<128x256xf32, #tpu.memory_space<hbm>>) target_semaphore(%arg7 : memref<!tpu.dma_semaphore, #tpu.memory_space<semaphore_mem>>)
    %add3A_103 = arith.constant 256 : i32
    %add3A_104 = arith.addi %mul3A_72, %add3A_103 : i32
    %dma_start3A_105 = arith.constant 2 : i32
    %dma_start3A_106 = arith.constant 0 : i32
    %dma_start3A_107 = arith.constant 0 : i32
    %dma_start3A_108 = tpu.memref_slice %arg6[%dma_start3A_105, %dma_start3A_106, %dma_start3A_107] : memref<3x128x256xf32, #tpu.memory_space<vmem>> -> memref<1x128x256xf32, #tpu.memory_space<vmem>>
    %dma_start3A_109 = tpu.memref_squeeze %dma_start3A_108 : memref<1x128x256xf32, #tpu.memory_space<vmem>> -> memref<128x256xf32, #tpu.memory_space<vmem>>
    %dma_start3A_110 = arith.constant 0 : i32
    %dma_start3A_111 = tpu.memref_slice %arg4[%add3A_104, %dma_start3A_110] : memref<12288x256xf32, #tpu.memory_space<hbm>> -> memref<128x256xf32, #tpu.memory_space<hbm>>
    %dma_start3A_112 = arith.constant 0 : i32
    %dma_start3A_113 = tpu.memref_slice %arg4[%add3A_104, %dma_start3A_112] : memref<12288x256xf32, #tpu.memory_space<hbm>> -> memref<128x256xf32, #tpu.memory_space<hbm>>
    %dma_start3A_114 = arith.constant 0 : i32
    %dma_start3A_115 = arith.constant 0 : i32
    %dma_start3A_116 = tpu.memref_slice %arg6[%dma_start3A_105, %dma_start3A_114, %dma_start3A_115] : memref<3x128x256xf32, #tpu.memory_space<vmem>> -> memref<1x128x256xf32, #tpu.memory_space<vmem>>
    %dma_start3A_117 = tpu.memref_squeeze %dma_start3A_116 : memref<1x128x256xf32, #tpu.memory_space<vmem>> -> memref<128x256xf32, #tpu.memory_space<vmem>>
    tpu.enqueue_dma source(%dma_start3A_117 : memref<128x256xf32, #tpu.memory_space<vmem>>) target(%dma_start3A_113 : memref<128x256xf32, #tpu.memory_space<hbm>>) target_semaphore(%arg7 : memref<!tpu.dma_semaphore, #tpu.memory_space<semaphore_mem>>)
    %dma_wait3A_118 = arith.constant 0 : i32
    %dma_wait3A_119 = arith.constant 0 : i32
    %dma_wait3A_120 = arith.constant 0 : i32
    %dma_wait3A_121 = tpu.memref_slice %arg6[%dma_wait3A_118, %dma_wait3A_119, %dma_wait3A_120] : memref<3x128x256xf32, #tpu.memory_space<vmem>> -> memref<1x128x256xf32, #tpu.memory_space<vmem>>
    %dma_wait3A_122 = tpu.memref_squeeze %dma_wait3A_121 : memref<1x128x256xf32, #tpu.memory_space<vmem>> -> memref<128x256xf32, #tpu.memory_space<vmem>>
    %dma_wait3A_123 = arith.constant 0 : i32
    %dma_wait3A_124 = tpu.memref_slice %arg4[%add3A_74, %dma_wait3A_123] : memref<12288x256xf32, #tpu.memory_space<hbm>> -> memref<128x256xf32, #tpu.memory_space<hbm>>
    %dma_wait3A_125 = arith.constant 0 : i32
    %dma_wait3A_126 = tpu.memref_slice %arg4[%add3A_74, %dma_wait3A_125] : memref<12288x256xf32, #tpu.memory_space<hbm>> -> memref<128x256xf32, #tpu.memory_space<hbm>>
    %dma_wait3A_127 = arith.constant 0 : i32
    %dma_wait3A_128 = arith.constant 0 : i32
    %dma_wait3A_129 = tpu.memref_slice %arg6[%dma_wait3A_118, %dma_wait3A_127, %dma_wait3A_128] : memref<3x128x256xf32, #tpu.memory_space<vmem>> -> memref<1x128x256xf32, #tpu.memory_space<vmem>>
    %dma_wait3A_130 = tpu.memref_squeeze %dma_wait3A_129 : memref<1x128x256xf32, #tpu.memory_space<vmem>> -> memref<128x256xf32, #tpu.memory_space<vmem>>
    tpu.wait_dma2 semaphore(%arg7 : memref<!tpu.dma_semaphore, #tpu.memory_space<semaphore_mem>>) src(%dma_wait3A_130 : memref<128x256xf32, #tpu.memory_space<vmem>>) dst(%dma_wait3A_126 : memref<128x256xf32, #tpu.memory_space<hbm>>)
    %dma_wait3A_131 = arith.constant 1 : i32
    %dma_wait3A_132 = arith.constant 0 : i32
    %dma_wait3A_133 = arith.constant 0 : i32
    %dma_wait3A_134 = tpu.memref_slice %arg6[%dma_wait3A_131, %dma_wait3A_132, %dma_wait3A_133] : memref<3x128x256xf32, #tpu.memory_space<vmem>> -> memref<1x128x256xf32, #tpu.memory_space<vmem>>
    %dma_wait3A_135 = tpu.memref_squeeze %dma_wait3A_134 : memref<1x128x256xf32, #tpu.memory_space<vmem>> -> memref<128x256xf32, #tpu.memory_space<vmem>>
    %dma_wait3A_136 = arith.constant 0 : i32
    %dma_wait3A_137 = tpu.memref_slice %arg4[%add3A_89, %dma_wait3A_136] : memref<12288x256xf32, #tpu.memory_space<hbm>> -> memref<128x256xf32, #tpu.memory_space<hbm>>
    %dma_wait3A_138 = arith.constant 0 : i32
    %dma_wait3A_139 = tpu.memref_slice %arg4[%add3A_89, %dma_wait3A_138] : memref<12288x256xf32, #tpu.memory_space<hbm>> -> memref<128x256xf32, #tpu.memory_space<hbm>>
    %dma_wait3A_140 = arith.constant 0 : i32
    %dma_wait3A_141 = arith.constant 0 : i32
    %dma_wait3A_142 = tpu.memref_slice %arg6[%dma_wait3A_131, %dma_wait3A_140, %dma_wait3A_141] : memref<3x128x256xf32, #tpu.memory_space<vmem>> -> memref<1x128x256xf32, #tpu.memory_space<vmem>>
    %dma_wait3A_143 = tpu.memref_squeeze %dma_wait3A_142 : memref<1x128x256xf32, #tpu.memory_space<vmem>> -> memref<128x256xf32, #tpu.memory_space<vmem>>
    tpu.wait_dma2 semaphore(%arg7 : memref<!tpu.dma_semaphore, #tpu.memory_space<semaphore_mem>>) src(%dma_wait3A_143 : memref<128x256xf32, #tpu.memory_space<vmem>>) dst(%dma_wait3A_139 : memref<128x256xf32, #tpu.memory_space<hbm>>)
    %dma_wait3A_144 = arith.constant 2 : i32
    %dma_wait3A_145 = arith.constant 0 : i32
    %dma_wait3A_146 = arith.constant 0 : i32
    %dma_wait3A_147 = tpu.memref_slice %arg6[%dma_wait3A_144, %dma_wait3A_145, %dma_wait3A_146] : memref<3x128x256xf32, #tpu.memory_space<vmem>> -> memref<1x128x256xf32, #tpu.memory_space<vmem>>
    %dma_wait3A_148 = tpu.memref_squeeze %dma_wait3A_147 : memref<1x128x256xf32, #tpu.memory_space<vmem>> -> memref<128x256xf32, #tpu.memory_space<vmem>>
    %dma_wait3A_149 = arith.constant 0 : i32
    %dma_wait3A_150 = tpu.memref_slice %arg4[%add3A_104, %dma_wait3A_149] : memref<12288x256xf32, #tpu.memory_space<hbm>> -> memref<128x256xf32, #tpu.memory_space<hbm>>
    %dma_wait3A_151 = arith.constant 0 : i32
    %dma_wait3A_152 = tpu.memref_slice %arg4[%add3A_104, %dma_wait3A_151] : memref<12288x256xf32, #tpu.memory_space<hbm>> -> memref<128x256xf32, #tpu.memory_space<hbm>>
    %dma_wait3A_153 = arith.constant 0 : i32
    %dma_wait3A_154 = arith.constant 0 : i32
    %dma_wait3A_155 = tpu.memref_slice %arg6[%dma_wait3A_144, %dma_wait3A_153, %dma_wait3A_154] : memref<3x128x256xf32, #tpu.memory_space<vmem>> -> memref<1x128x256xf32, #tpu.memory_space<vmem>>
    %dma_wait3A_156 = tpu.memref_squeeze %dma_wait3A_155 : memref<1x128x256xf32, #tpu.memory_space<vmem>> -> memref<128x256xf32, #tpu.memory_space<vmem>>
    tpu.wait_dma2 semaphore(%arg7 : memref<!tpu.dma_semaphore, #tpu.memory_space<semaphore_mem>>) src(%dma_wait3A_156 : memref<128x256xf32, #tpu.memory_space<vmem>>) dst(%dma_wait3A_152 : memref<128x256xf32, #tpu.memory_space<hbm>>)
    return
  }
}

module attributes {stable_mosaic.version = 14 : i64} {
  func.func @_copy_body(%arg0: i32, %arg1: memref<3x1x256x256xf32, #tpu.memory_space<vmem>>, %arg2: memref<3x1x256x256xf32, #tpu.memory_space<vmem>>) attributes {dimension_semantics = [#tpu.dimension_semantics<arbitrary>], iteration_bounds = array<i64: 64>, scalar_prefetch = 0 : i64, scratch_operands = 0 : i64, tpu.core_type = #tpu.core_type<tc>, window_params = [{transform_indices = @transform_0, window_bounds = array<i64: 3, 1, 256, 256>}, {transform_indices = @transform_1, window_bounds = array<i64: 3, 1, 256, 256>}]} {
    %get3A = arith.constant 0 : index
    %get3A_0 = arith.constant 0 : index
    %get3A_1 = arith.constant 0 : index
    %get3A_2 = arith.constant 0 : index
    %get3A_3 = vector.load %arg1[%get3A, %get3A_0, %get3A_1, %get3A_2] : memref<3x1x256x256xf32, #tpu.memory_space<vmem>>, vector<3x1x256x256xf32>
    %swap3A = arith.constant 0 : index
    %swap3A_4 = arith.constant 0 : index
    %swap3A_5 = arith.constant 0 : index
    %swap3A_6 = arith.constant 0 : index
    %swap3A_7 = vector.load %arg2[%swap3A, %swap3A_4, %swap3A_5, %swap3A_6] : memref<3x1x256x256xf32, #tpu.memory_space<vmem>>, vector<3x1x256x256xf32>
    tpu.vector_store %arg2[%swap3A, %swap3A_4, %swap3A_5, %swap3A_6], %get3A_3 {strides = array<i32>} : memref<3x1x256x256xf32, #tpu.memory_space<vmem>>, vector<3x1x256x256xf32>,
    return
  }
  func.func @transform_0(%arg0: i32) -> (i32, i32, i32, i32) {
    %c0_i32 = arith.constant 0 : i32
    %c0_i32_0 = arith.constant 0 : i32
    %c0_i32_1 = arith.constant 0 : i32
    %c0_i32_2 = arith.constant 0 : i32
    return %c0_i32, %arg0, %c0_i32_0, %c0_i32_1 : i32, i32, i32, i32
  }
  func.func @transform_1(%arg0: i32) -> (i32, i32, i32, i32) {
    %c0_i32 = arith.constant 0 : i32
    %c0_i32_0 = arith.constant 0 : i32
    %c0_i32_1 = arith.constant 0 : i32
    %c0_i32_2 = arith.constant 0 : i32
    return %c0_i32, %arg0, %c0_i32_0, %c0_i32_1 : i32, i32, i32, i32
  }
}

</mosaic_0001>

<sc_bundles>
// kernel: kernel.4.cloned.1.call-start
scs
__scs_entry_jumppad:
0x0: {  	(pc) =	sbr.rel $0x88, $3  }
0x1: {  	(tag) =	ssettag $0x0;
	lr =	simm.s32 $0x1  }
0x2: {  	[smem:$0x3FA0] =	sst lr;
	_ =	strace $0xD0000000  }
0x3: {  	_ = 	snop  }
0x4: {  	_ = 	snop  }
0x5: {  	_ = 	snop  }
0x6: {  	_ = 	snop  }
0x7: {  	_ = 	snop  }
__scs_overlays_trampoline_lowered:
0x8: {  	[smem:$0x3FAF] =	sst s0  }
0x9: {  	[smem:$0x3FB0] =	sst s1  }
0xa: {  	[smem:$0x3FB1] =	sst s2  }
0xb: {  	[smem:$0x3FB2] =	sst s3  }
0xc: {  	[smem:$0x3FB3] =	sst s4  }
0xd: {  	[smem:$0x3FB4] =	sst s5  }
0xe: {  	[smem:$0x3FB5] =	sst s6  }
0xf: {  	[smem:$0x3FB6] =	sst s7  }
0x10: {  	[smem:$0x3FB7] =	sst s8  }
0x11: {  	[smem:$0x3FB8] =	sst s9;
	s0 =	simm.s32 @!p0 $0x0  }
0x12: {  	s1 =	sld [smem:$0x3F9E];
	s0 =	simm.s32 @p0 $0x1  }
0x13: {  	[smem:$0x3FB9] =	sst s0;
	s0 =	simm.s32 @!p1 $0x0  }
0x14: {  	s2 =	sld [smem:$0x3F9D];
	s0 =	simm.s32 @p1 $0x1  }
0x15: {  	[smem:$0x3FBA] =	sst s0;
	s0 =	simm.s32 @!p2 $0x0  }
0x16: {  	s3 =	sld [smem:$0x3FDB];
	s0 =	simm.s32 @p2 $0x1  }
0x17: {  	s4 =	simm.s32 $0x1BF5;
	[smem:$0x3FBC] =	sst s0  }
0x18: {  	s0 =	sld [smem:$0x3F9F];
	_ =	swait.ge [sflag:s4], $0x0  }
0x19: {  	s7 =	sld [smem:$0x3FA0]  }
0x1a: {  	s8 =	sadd.s32 $0xFFFFE003, lr  }
0x1b: {  	s9 =	sadd.s32 $0xFFFFFEF7, lr;
	s5 =	simm.s32 $0xFFFFFFFF;
	p2 =	slt.u32 s8, $0xFFFFF086  }
0x1c: {  	p1 =	slt.u32 s9, $0xF7A;
	s5 =	simm.s32 @!p2 $0x0  }
0x1d: {  	s5 =	simm.s32 @p1 $0x1;
	p0 =	seq.s32 s7, s2  }
0x1e: {  	s7 =	smul.u32 @!p0 $0xF7A, s2;
	p2 =	seq.s32 @!p0 s5, $0x0  }
0x1f: {  	s9 =	smul.u32 $0xF7A, s1;
	s8 =	simm.s32 @!p0 $0x1BF5;
	p2 =	por !p2, p0  }
0x20: {  	[sflag:s8] =	ssyncset.s32 @!p0 $0xFFFFF086;
	s6 =	sadd.s32 @!p0 s3, s7;
	s7 =	simm.s32 @!p0 $0x108  }
0x21: {  	s3 =	sadd.s32 s3, s9;
	s6 =	sadd.s32 @!p0 $0x88, s6;
	s7 =	simm.s32 @p2 $0x1082  }
0x22: {  	[simem:s7], [sflag:s8] =	dma.local @!p0 [hbm:s6], $0xF7A  }
0x23: {  	s9 =	sor.u32 $0xD0000000, s2;
	s6 =	simm.s32 $0x108;
	_ =	swait.ge @!p0 [sflag:s8], $0x0  }
0x24: {  	s3 =	sadd.s32 $0x88, s3;
	s6 =	simm.s32 @!p1 $0x1082;
	[sflag:s4] =	ssyncset.s32 $0xFFFFF086  }
0x25: {  	[simem:s6], [sflag:s4] =	dma.local [hbm:s3], $0xF7A  }
0x26: {  	[smem:$0x3FA0] =	sst s1;
	(tag) =	ssettag s2;
	_ =	strace s9  }
0x27: {  	s1 =	sld [smem:$0x3FB0]  }
0x28: {  	s2 =	sld [smem:$0x3FB1]  }
0x29: {  	s4 =	sld [smem:$0x3FB3]  }
0x2a: {  	p0 =	seq.s32 s5, $0x0;
	s5 =	sld [smem:$0x3FB4]  }
0x2b: {  	s6 =	sld [smem:$0x3FB5]  }
0x2c: {  	s7 =	sld [smem:$0x3FB6]  }
0x2d: {  	s3 =	simm.s32 $0x108;
	s8 =	sld [smem:$0x3FB7]  }
0x2e: {  	s3 =	simm.s32 @!p0 $0x1082;
	s9 =	sld [smem:$0x3FB8]  }
0x2f: {  	lr =	sadd.s32 s0, s3;
	s0 =	sld [smem:$0x3FAF]  }
0x30: {  	s3 =	sld [smem:$0x3FB2]  }
0x31: {  	[smem:$0x3FBB] =	sst s10  }
0x32: {  	s10 =	sld [smem:$0x3FB9];
	_ =	sdelay $0x3  }
0x33: {  	p0 =	seq.s32 s10, $0x1;
	s10 =	sld [smem:$0x3FBB];
	_ =	sdelay $0x3  }
0x34: {  	[smem:$0x3FBB] =	sst s10  }
0x35: {  	s10 =	sld [smem:$0x3FBA];
	_ =	sdelay $0x3  }
0x36: {  	p1 =	seq.s32 s10, $0x1;
	s10 =	sld [smem:$0x3FBB];
	_ =	sdelay $0x3  }
0x37: {  	[smem:$0x3FBB] =	sst s10  }
0x38: {  	s10 =	sld [smem:$0x3FBC]  }
0x39: {  	_ = 	snop;
	(pc) =	sbr.ind lr, $3  }
0x3a: {  	_ = 	snop  }
0x3b: {  	_ = 	snop  }
0x3c: {  	p2 =	seq.s32 s10, $0x1;
	s10 =	sld [smem:$0x3FBB]  }
0x3d: {  	_ =	shalt  }
0x3e: {  	_ =	shalt  }
0x3f: {  	_ =	shalt  }
0x40: {  	_ =	shalt  }
0x41: {  	_ =	shalt  }
0x42: {  	_ =	shalt  }
0x43: {  	_ =	shalt  }
0x44: {  	_ =	shalt  }
0x45: {  	_ =	shalt  }
0x46: {  	_ =	shalt  }
0x47: {  	_ =	shalt  }
0x48: {  	_ =	shalt  }
0x49: {  	_ =	shalt  }
0x4a: {  	_ =	shalt  }
0x4b: {  	_ =	shalt  }
0x4c: {  	_ =	shalt  }
0x4d: {  	_ =	shalt  }
0x4e: {  	_ =	shalt  }
0x4f: {  	_ =	shalt  }
0x50: {  	_ =	shalt  }
0x51: {  	_ =	shalt  }
0x52: {  	_ =	shalt  }
0x53: {  	_ =	shalt  }
0x54: {  	_ =	shalt  }
0x55: {  	_ =	shalt  }
0x56: {  	_ =	shalt  }
0x57: {  	_ =	shalt  }
0x58: {  	_ =	shalt  }
0x59: {  	_ =	shalt  }
0x5a: {  	_ =	shalt  }
0x5b: {  	_ =	shalt  }
0x5c: {  	_ =	shalt  }
0x5d: {  	_ =	shalt  }
0x5e: {  	_ =	shalt  }
0x5f: {  	_ =	shalt  }
0x60: {  	_ =	shalt  }
0x61: {  	_ =	shalt  }
0x62: {  	_ =	shalt  }
0x63: {  	_ =	shalt  }
0x64: {  	_ =	shalt  }
0x65: {  	_ =	shalt  }
0x66: {  	_ =	shalt  }
0x67: {  	_ =	shalt  }
0x68: {  	_ =	shalt  }
0x69: {  	_ =	shalt  }
0x6a: {  	_ =	shalt  }
0x6b: {  	_ =	shalt  }
0x6c: {  	_ =	shalt  }
0x6d: {  	_ =	shalt  }
0x6e: {  	_ =	shalt  }
0x6f: {  	_ =	shalt  }
0x70: {  	_ =	shalt  }
0x71: {  	_ =	shalt  }
0x72: {  	_ =	shalt  }
0x73: {  	_ =	shalt  }
0x74: {  	_ =	shalt  }
0x75: {  	_ =	shalt  }
0x76: {  	_ =	shalt  }
0x77: {  	_ =	shalt  }
0x78: {  	_ =	shalt  }
0x79: {  	_ =	shalt  }
0x7a: {  	_ =	shalt  }
0x7b: {  	_ =	shalt  }
0x7c: {  	_ =	shalt  }
0x7d: {  	_ =	shalt  }
0x7e: {  	_ =	shalt  }
0x7f: {  	_ =	shalt  }
0x80: {  	_ =	shalt  }
0x81: {  	_ =	shalt  }
0x82: {  	_ =	shalt  }
0x83: {  	_ =	shalt  }
0x84: {  	_ =	shalt  }
0x85: {  	_ =	shalt  }
0x86: {  	_ =	shalt  }
0x87: {  	_ =	shalt  }
.Lfunc_end0:
.L_simem_size_0:
called_computation_lowered:
.L_overlay_start_0:
0x88: {  	s2 =	sld [smem:$0x3FD9]  }
0x89: {  	s3 =	sld [smem:$0x3FFE];
	_ =	sdelay $0x1  }
0x8a: {  	s1 =	srdreg.scid  }
0x8b: {  	s0 =	sand.u32 $0x1, s1  }
0x8c: {  	s14 =	sshll.u32 s0, $0xA;
	s2 =	sadd.s32 s3, s2  }
0x8d: {  	s2 =	sadd.s32 s2, s14  }
0x8e: {  	[smem:$0x3FC7] =	sst s2  }
0x8f: {  	_ = 	snop  }
0x90: {  	s2 =	sld [smem:$0x3FD0];
	_ =	sdelay $0x2  }
0x91: {  	s4 =	simm.s32 $0xA;
	s5 =	simm.s32 $0x10;
	s15 =	sld [smem:$0x3FC9]  }
0x92: {  	[smem:s5], [sflag:s4] =	dma.local [hbm:s2], $0x1  }
0x93: {  	_ =	swait.eq [sflag:s4], $0x1  }
0x94: {  	[sflag:s4] =	ssyncset.done $0x0  }
0x95: {  	[sflag:s4] =	ssyncadd.s32 $0xFFFFFFFF  }
0x96: {  	s16 =	sld [smem:$0x10];
	(tm) =	ssettm $0x1  }
0x97: {  	s17 =	sld [smem:$0x3FFB];
	_ =	sdelay $0x3  }
0x98: {  	_ =	strace s17  }
0x99: {  	s4 =	sld [smem:$0x3FFC];
	_ =	sdelay $0x3  }
0x9a: {  	_ =	strace s4  }
0x9b: {  	s4 =	sld [smem:$0x3FFD];
	_ =	sdelay $0x3  }
0x9c: {  	_ =	strace s4  }
0x9d: {  	_ =	strace $0x8FFFFFFF  }
0x9e: {  	s18 =	sld [smem:$0x3FDB];
	_ =	sdelay $0x1  }
0x9f: {  	s19 =	simm.s32 $_scs_section_size  }
0xa0: {  	s6 =	simm.s32 $_size__tile_overlayer_lowered;
	s7 =	simm.s32 $_tile_overlayer_lowered  }
0xa1: {  	s22 =	simm.s32 $0x1BFF;
	s21 =	sshll.u32 s7, $0x1;
	s4 =	sadd.s32 s19, s18  }
0xa2: {  	s8 =	simm.s32 $0x0;
	s20 =	sshll.u32 s6, $0x1;
	s6 =	sadd.s32 s21, s4  }
0xa3: {  	[timem:s8], [sflag:s22] =	dma.local [hbm:s6], s20  }
0xa4: {  	_ =	swait.ge [sflag:s22], s20  }
0xa5: {  	s5 =	ssub.s32 $0x0, s20;
	[sflag:s22] =	ssyncset.done $0x0  }
0xa6: {  	[sflag:s22] =	ssyncadd.s32 s5;
	_ =	sdelay $0x1  }
0xa7: {  	s23 =	simm.s32 $0x1B8B  }
0xa8: {  	_ =	swait.ge [sflag:s23], $0x1  }
0xa9: {  	[sflag:s23] =	ssyncset.done $0x0  }
0xaa: {  	s25 =	simm.s32 $0x1B8E;
	s24 =	sld [smem:$0x3FFE];
	[sflag:s23] =	ssyncadd.s32 $0xFFFFFFFF  }
0xab: {  	s26 =	simm.s32 $execute0_lowered;
	[smem:$0x3FD2] =	sst s25  }
0xac: {  	s6 =	sshll.u32 s26, $0x1;
	_ =	strace $0x80000046;
	[dreg:$0x1] =	wrdreg $0xFFFFFFFF  }
0xad: {  	s28 =	simm.s32 $_size_execute0_lowered;
	s4 =	sadd.s32 s4, s6;
	[dreg:$0x0] =	wrdreg $0x0  }
0xae: {  	s6 =	sshll.u32 s28, $0x1;
	[dreg:$0x2] =	wrdreg s4  }
0xaf: {  	[dreg:$0x3] =	wrdreg s6  }
0xb0: {  	[dreg:$0x4] =	wrdreg $0xC0  }
0xb1: {  	_ =	task [dreg:s8], $0x5FFFF  }
0xb2: {  	[dreg:$0x1] =	wrdreg $0xFFFFFFFF  }
0xb3: {  	[dreg:$0x0] =	wrdreg $0x60  }
0xb4: {  	[dreg:$0x2] =	wrdreg s15  }
0xb5: {  	[dreg:$0x3] =	wrdreg s24  }
0xb6: {  	[dreg:$0x4] =	wrdreg s16  }
0xb7: {  	[dreg:$0x5] =	wrdreg $0x9  }
0xb8: {  	_ =	task.clear_ibuf [dreg:s8], $0x6FFFF;
	_ =	strace $0x90000046  }
0xb9: {  	s29 =	simm.s32 $0x9;
	_ =	strace $0x80000048  }
0xba: {  	_ =	swait.ge [sflag:s29], $0x1  }
0xbb: {  	[sflag:s29] =	ssyncadd.s32 $0xFFFFFFFF  }
0xbc: {  	_ =	strace $0x90000048  }
0xbd: {  	_ =	sfence  }
0xbe: {  	s30 =	sld [smem:$0x0];
	_ =	sdelay $0x2  }
0xbf: {  	s31 =	sshll.u32 s1, $0xD;
	s1 =	sshrl.u32 s1, $0x2  }
0xc0: {  	s3 =	sand.u32 $0x4000, s31;
	s1 =	sadd.s32 s1, s30  }
0xc1: {  	s0 =	sor.u32 s3, s0;
	s1 =	sshll.u32 s1, $0x11  }
0xc2: {  	s0 =	sor.u32 s1, s0  }
0xc3: {  	s0 =	sadd.s32 $0x8F2B, s0  }
0xc4: {  	[sflag:s0] =	ssyncadd.remote.s32 $0x1  }
0xc5: {  	_ =	sfence.sel $0xFFFF  }
0xc6: {  	[dreg:$0x0] =	wrdreg $0xFFFFFFFF;
	(pc) =	sbr.abs _section_cstart, $3  }
0xc7: {  	[dreg:$0x1] =	wrdreg $0xFFFFFFFF  }
0xc8: {  	_ =	task.clear_ibuf [dreg:s8], $0x2FFFF;
	_ =	strace $0x9FFFFFFF  }
0xc9: {  	(tm) =	ssettm $0x7FFFFFFF  }
tec
execute0_lowered:
.L_overlay_start_1:
0x0: {  	(tag) =	ssettag $0x1  }
0x1: {  	s1 =	rddreg [dreg:$0x0]  }
0x2: {  	s2 =	rddreg [dreg:$0x1]  }
0x3: {  	s3 =	srdreg.scid;
	s0 =	stileid.u32  }
0x4: {  	s4 =	rddreg [dreg:$0x2];
	s5 =	sand.u32 $0x1, s3;
	s3 =	simm.s32 $0x0  }
0x5: {  	s26 =	simm.s32 $0xA00;
	s21 =	sshll.u32 s0, $0x1;
	[smem:$0x7FF] =	sst s3  }
0x6: {  	s0 =	simm.s32 $0x1200;
	_ =	strace $0x80000047;
	[dreg:$0x8] =	wrdreg s26  }
0x7: {  	s9 =	simm.s32 $0x3A00;
	[dreg:$0x9] =	wrdreg s0  }
0x8: {  	s10 =	simm.s32 $0x4200;
	[dreg:$0xe] =	wrdreg s9  }
0x9: {  	s11 =	simm.s32 $0x4A00;
	[dreg:$0xf] =	wrdreg s10  }
0xa: {  	s12 =	simm.s32 $0x5200;
	[dreg:$0x10] =	wrdreg s11  }
0xb: {  	s13 =	simm.s32 $0x5A00;
	[dreg:$0x11] =	wrdreg s12  }
0xc: {  	s14 =	simm.s32 $0x6200;
	s15 =	simm.s32 $0x6A00;
	[dreg:$0x12] =	wrdreg s13  }
0xd: {  	s16 =	simm.s32 $0x7200;
	s17 =	simm.s32 $0x7A00;
	[dreg:$0x13] =	wrdreg s14  }
0xe: {  	s18 =	simm.s32 $0x8A00;
	s19 =	simm.s32 $0x9200;
	[dreg:$0x14] =	wrdreg s15  }
0xf: {  	s20 =	simm.s32 $0x9A00;
	s28 =	simm.s32 $0x16200;
	[dreg:$0x15] =	wrdreg s16  }
0x10: {  	s29 =	simm.s32 $0x16A00;
	s30 =	simm.s32 $0x17200;
	[dreg:$0x16] =	wrdreg s17  }
0x11: {  	s31 =	simm.s32 $0x17A00;
	s6 =	sor.u32 s5, s21;
	[dreg:$0x17] =	wrdreg s18  }
0x12: {  	s21 =	ssub.s32 $0x2, s5;
	s8 =	smul.u32 $0x18000, s6;
	[dreg:$0x18] =	wrdreg s19  }
0x13: {  	s7 =	sshll.u32 s6, $0x6;
	s6 =	smul.u32 $0x3000, s6;
	[dreg:$0x19] =	wrdreg s20  }
0x14: {  	s5 =	sshrl.u32 s21, $0x1;
	s26 =	simm.s32 $0xC200;
	s9 =	simm.s32 $0xD200  }
0x15: {  	s10 =	simm.s32 $0xDA00;
	s11 =	simm.s32 $0xE200;
	s12 =	simm.s32 $0xEA00  }
0x16: {  	s13 =	simm.s32 $0xF200;
	s14 =	simm.s32 $0xFA00;
	s15 =	simm.s32 $0x10200  }
0x17: {  	s16 =	simm.s32 $0x10A00;
	s17 =	simm.s32 $0x11200;
	s18 =	simm.s32 $0x11A00  }
0x18: {  	s2 =	sadd.s32 s7, s2;
	s7 =	simm.s32 $0x2A00;
	[dreg:$0x1e] =	wrdreg s26  }
0x19: {  	s19 =	simm.s32 $0x12200;
	s2 =	sadd.s32 $0x400, s2;
	[dreg:$0xc] =	wrdreg s7  }
0x1a: {  	s20 =	simm.s32 $0x12A00;
	s23 =	sadd.s32 s4, s6;
	[dreg:$0x4] =	wrdreg s2  }
0x1b: {  	s26 =	simm.s32 $0x15A00;
	s6 =	simm.s32 $0x2200;
	[dreg:$0x5] =	wrdreg s23  }
0x1c: {  	s22 =	sshrl.u32 s8, $0x3;
	s8 =	simm.s32 $0x3200;
	[dreg:$0xb] =	wrdreg s6  }
0x1d: {  	s4 =	sadd.s32 s4, s22;
	[dreg:$0xd] =	wrdreg s8;
	s22 =	simm.s32 $0xA200  }
0x1e: {  	s7 =	simm.s32 $0x8200;
	s23 =	simm.s32 $0xAA00;
	[dreg:$0x1a] =	wrdreg s22  }
0x1f: {  	s6 =	simm.s32 $0x200;
	s24 =	sadd.s32 $0x1000, s4;
	[dreg:$0x1b] =	wrdreg s23  }
0x20: {  	s2 =	simm.s32 $0x1;
	s25 =	sadd.s32 $0x2000, s4;
	[dreg:$0x6] =	wrdreg s24  }
0x21: {  	s4 =	simm.s32 $0x1A00;
	s22 =	simm.s32 $0x13A00;
	[dreg:$0x7] =	wrdreg s25  }
0x22: {  	s23 =	simm.s32 $0x14200;
	[dreg:$0xa] =	wrdreg s4;
	s4 =	ssub.s32 s21, s5  }
0x23: {  	v2 =	vlaneseq.u32;
	s24 =	simm.s32 $0xB200;
	s25 =	simm.s32 $0xBA00;
	s5 =	simm.s32 $0x2  }
0x24: {  	vm0 =	vmmov $0xffff;
	v1 =	vshrl.u32 v2, $0x3;
	s21 =	simm.s32 $0x13200;
	s4 =	smax.u32 s4, $0x1;
	[dreg:$0x1c] =	wrdreg s24  }
0x25: {  	v0 =	vand.u32 $0x7, v2;
	v2 =	vor.u32 $0x8, v2;
	v1 =	vmul.u32 $0x8, v1;
	[dreg:$0x1d] =	wrdreg s25;
	s24 =	simm.s32 $0x14A00;
	s25 =	simm.s32 $0x15200  }
.LBB2_1:
0x26: {  	s0 =	rddreg [dreg:$0x4]  }
0x27: {  	[tilespmem:s3], [sflag:$0x2] =	stream.linear.gather [hbm4b:s0+s3], $0x180, $0x38;
	[tilespmem:$0x18200] =	vst v63  }
0x28: {  	_ =	swait.ge [sflag:s5], $0x180  }
0x29: {  	[sflag:s5] =	ssyncset.done $0x0  }
0x2a: {  	[sflag:s5] =	ssyncadd.s32 $0xFFFFFE80  }
0x2b: {  	v3 =	vld [tilespmem:$0x0];
	_ =	sdelay $0x4  }
0x2c: {  	v4 =	vshll.u32 v3, $0x1  }
0x2d: {  	v3 =	vand.u32 $0x7, v3;
	v4 =	vand.u32 $0xFFFFFFF0, v4  }
0x2e: {  	v3 =	vor.u32 v3, v4  }
0x2f: {  	v4 =	vperm.xlane v3, v0;
	_ =	sdelay $0x1  }
0x30: {  	v3 =	vperm.xlane v3, v2;
	v4 =	vadd.s32 v1, v4;
	_ =	sdelay $0x1  }
0x31: {  	v3 =	vadd.s32 v1, v3;
	_ =	sdelay $0x2  }
0x32: {  	[tilespmem:s6], [sflag:$0x1] =	stream.indirect_vreg.gather [hbm4b:s1+s3], $0x80, v4, vm0, $0xb8;
	[tilespmem:$0x18200] =	vst v63  }
0x33: {  	s8 =	rddreg [dreg:$0x8]  }
0x34: {  	[tilespmem:s8], [sflag:$0x1] =	stream.indirect_vreg.gather [hbm4b:s1+s3], $0x80, v3, vm0, $0xb8;
	[tilespmem:$0x18200] =	vst v63  }
0x35: {  	v3 =	vld [tilespmem:$0x10];
	_ =	sdelay $0x4  }
0x36: {  	v41 =	vshll.u32 v3, $0x1  }
0x37: {  	v3 =	vand.u32 $0x7, v3;
	v4 =	vand.u32 $0xFFFFFFF0, v41  }
0x38: {  	v3 =	vor.u32 v3, v4  }
0x39: {  	v4 =	vperm.xlane v3, v0;
	_ =	sdelay $0x1  }
0x3a: {  	v3 =	vperm.xlane v3, v2;
	v4 =	vadd.s32 v1, v4;
	_ =	sdelay $0x1  }
0x3b: {  	v3 =	vadd.s32 v1, v3;
	_ =	sdelay $0x1  }
0x3c: {  	s0 =	rddreg [dreg:$0x9]  }
0x3d: {  	[tilespmem:s0], [sflag:$0x1] =	stream.indirect_vreg.gather [hbm4b:s1+s3], $0x80, v4, vm0, $0xb8;
	[tilespmem:$0x18200] =	vst v63  }
0x3e: {  	s8 =	rddreg [dreg:$0xa]  }
0x3f: {  	[tilespmem:s8], [sflag:$0x1] =	stream.indirect_vreg.gather [hbm4b:s1+s3], $0x80, v3, vm0, $0xb8;
	[tilespmem:$0x18200] =	vst v63  }
0x40: {  	v3 =	vld [tilespmem:$0x20];
	_ =	sdelay $0x4  }
0x41: {  	v42 =	vshll.u32 v3, $0x1  }
0x42: {  	v3 =	vand.u32 $0x7, v3;
	v4 =	vand.u32 $0xFFFFFFF0, v42  }
0x43: {  	v3 =	vor.u32 v3, v4  }
0x44: {  	v4 =	vperm.xlane v3, v0;
	_ =	sdelay $0x1  }
0x45: {  	v3 =	vperm.xlane v3, v2;
	v4 =	vadd.s32 v1, v4;
	_ =	sdelay $0x1  }
0x46: {  	v3 =	vadd.s32 v1, v3;
	_ =	sdelay $0x1  }
0x47: {  	s0 =	rddreg [dreg:$0xb]  }
0x48: {  	[tilespmem:s0], [sflag:$0x1] =	stream.indirect_vreg.gather [hbm4b:s1+s3], $0x80, v4, vm0, $0xb8;
	[tilespmem:$0x18200] =	vst v63  }
0x49: {  	s8 =	rddreg [dreg:$0xc]  }
0x4a: {  	[tilespmem:s8], [sflag:$0x1] =	stream.indirect_vreg.gather [hbm4b:s1+s3], $0x80, v3, vm0, $0xb8;
	[tilespmem:$0x18200] =	vst v63  }
0x4b: {  	v3 =	vld [tilespmem:$0x30];
	_ =	sdelay $0x4  }
0x4c: {  	v43 =	vshll.u32 v3, $0x1  }
0x4d: {  	v3 =	vand.u32 $0x7, v3;
	v4 =	vand.u32 $0xFFFFFFF0, v43  }
0x4e: {  	v3 =	vor.u32 v3, v4  }
0x4f: {  	v4 =	vperm.xlane v3, v0;
	_ =	sdelay $0x1  }
0x50: {  	v3 =	vperm.xlane v3, v2;
	v4 =	vadd.s32 v1, v4;
	_ =	sdelay $0x1  }
0x51: {  	v3 =	vadd.s32 v1, v3;
	_ =	sdelay $0x1  }
0x52: {  	s0 =	rddreg [dreg:$0xd]  }
0x53: {  	[tilespmem:s0], [sflag:$0x1] =	stream.indirect_vreg.gather [hbm4b:s1+s3], $0x80, v4, vm0, $0xb8;
	[tilespmem:$0x18200] =	vst v63  }
0x54: {  	s8 =	rddreg [dreg:$0xe]  }
0x55: {  	[tilespmem:s8], [sflag:$0x1] =	stream.indirect_vreg.gather [hbm4b:s1+s3], $0x80, v3, vm0, $0xb8;
	[tilespmem:$0x18200] =	vst v63  }
0x56: {  	v3 =	vld [tilespmem:$0x40];
	_ =	sdelay $0x4  }
0x57: {  	v44 =	vshll.u32 v3, $0x1  }
0x58: {  	v3 =	vand.u32 $0x7, v3;
	v4 =	vand.u32 $0xFFFFFFF0, v44  }
0x59: {  	v3 =	vor.u32 v3, v4  }
0x5a: {  	v4 =	vperm.xlane v3, v0;
	_ =	sdelay $0x1  }
0x5b: {  	v3 =	vperm.xlane v3, v2;
	v4 =	vadd.s32 v1, v4;
	_ =	sdelay $0x1  }
0x5c: {  	v3 =	vadd.s32 v1, v3;
	_ =	sdelay $0x1  }
0x5d: {  	s0 =	rddreg [dreg:$0xf]  }
0x5e: {  	[tilespmem:s0], [sflag:$0x1] =	stream.indirect_vreg.gather [hbm4b:s1+s3], $0x80, v4, vm0, $0xb8;
	[tilespmem:$0x18200] =	vst v63  }
0x5f: {  	s8 =	rddreg [dreg:$0x10]  }
0x60: {  	[tilespmem:s8], [sflag:$0x1] =	stream.indirect_vreg.gather [hbm4b:s1+s3], $0x80, v3, vm0, $0xb8;
	[tilespmem:$0x18200] =	vst v63  }
0x61: {  	v3 =	vld [tilespmem:$0x50];
	_ =	sdelay $0x4  }
0x62: {  	v45 =	vshll.u32 v3, $0x1  }
0x63: {  	v3 =	vand.u32 $0x7, v3;
	v4 =	vand.u32 $0xFFFFFFF0, v45  }
0x64: {  	v3 =	vor.u32 v3, v4  }
0x65: {  	v4 =	vperm.xlane v3, v0;
	_ =	sdelay $0x1  }
0x66: {  	v3 =	vperm.xlane v3, v2;
	v4 =	vadd.s32 v1, v4;
	_ =	sdelay $0x1  }
0x67: {  	v3 =	vadd.s32 v1, v3;
	_ =	sdelay $0x1  }
0x68: {  	s0 =	rddreg [dreg:$0x11]  }
0x69: {  	[tilespmem:s0], [sflag:$0x1] =	stream.indirect_vreg.gather [hbm4b:s1+s3], $0x80, v4, vm0, $0xb8;
	[tilespmem:$0x18200] =	vst v63  }
0x6a: {  	s8 =	rddreg [dreg:$0x12]  }
0x6b: {  	[tilespmem:s8], [sflag:$0x1] =	stream.indirect_vreg.gather [hbm4b:s1+s3], $0x80, v3, vm0, $0xb8;
	[tilespmem:$0x18200] =	vst v63  }
0x6c: {  	v3 =	vld [tilespmem:$0x60];
	_ =	sdelay $0x4  }
0x6d: {  	v46 =	vshll.u32 v3, $0x1  }
0x6e: {  	v3 =	vand.u32 $0x7, v3;
	v4 =	vand.u32 $0xFFFFFFF0, v46  }
0x6f: {  	v3 =	vor.u32 v3, v4  }
0x70: {  	v4 =	vperm.xlane v3, v0;
	_ =	sdelay $0x1  }
0x71: {  	v3 =	vperm.xlane v3, v2;
	v4 =	vadd.s32 v1, v4;
	_ =	sdelay $0x1  }
0x72: {  	v3 =	vadd.s32 v1, v3;
	_ =	sdelay $0x1  }
0x73: {  	s0 =	rddreg [dreg:$0x13]  }
0x74: {  	[tilespmem:s0], [sflag:$0x1] =	stream.indirect_vreg.gather [hbm4b:s1+s3], $0x80, v4, vm0, $0xb8;
	[tilespmem:$0x18200] =	vst v63  }
0x75: {  	s8 =	rddreg [dreg:$0x14]  }
0x76: {  	[tilespmem:s8], [sflag:$0x1] =	stream.indirect_vreg.gather [hbm4b:s1+s3], $0x80, v3, vm0, $0xb8;
	[tilespmem:$0x18200] =	vst v63  }
0x77: {  	v3 =	vld [tilespmem:$0x70];
	_ =	sdelay $0x4  }
0x78: {  	v47 =	vshll.u32 v3, $0x1  }
0x79: {  	v3 =	vand.u32 $0x7, v3;
	v4 =	vand.u32 $0xFFFFFFF0, v47  }
0x7a: {  	v3 =	vor.u32 v3, v4  }
0x7b: {  	v4 =	vperm.xlane v3, v0;
	_ =	sdelay $0x1  }
0x7c: {  	v3 =	vperm.xlane v3, v2;
	v4 =	vadd.s32 v1, v4;
	_ =	sdelay $0x1  }
0x7d: {  	v3 =	vadd.s32 v1, v3;
	_ =	sdelay $0x1  }
0x7e: {  	s0 =	rddreg [dreg:$0x15]  }
0x7f: {  	[tilespmem:s0], [sflag:$0x1] =	stream.indirect_vreg.gather [hbm4b:s1+s3], $0x80, v4, vm0, $0xb8;
	[tilespmem:$0x18200] =	vst v63  }
0x80: {  	s8 =	rddreg [dreg:$0x16]  }
0x81: {  	[tilespmem:s8], [sflag:$0x1] =	stream.indirect_vreg.gather [hbm4b:s1+s3], $0x80, v3, vm0, $0xb8;
	[tilespmem:$0x18200] =	vst v63  }
0x82: {  	v3 =	vld [tilespmem:$0x80];
	_ =	sdelay $0x4  }
0x83: {  	v48 =	vshll.u32 v3, $0x1  }
0x84: {  	v3 =	vand.u32 $0x7, v3;
	v4 =	vand.u32 $0xFFFFFFF0, v48  }
0x85: {  	v3 =	vor.u32 v3, v4  }
0x86: {  	v4 =	vperm.xlane v3, v0;
	_ =	sdelay $0x1  }
0x87: {  	v3 =	vperm.xlane v3, v2;
	v4 =	vadd.s32 v1, v4;
	_ =	sdelay $0x1  }
0x88: {  	v3 =	vadd.s32 v1, v3;
	_ =	sdelay $0x2  }
0x89: {  	[tilespmem:s7], [sflag:$0x1] =	stream.indirect_vreg.gather [hbm4b:s1+s3], $0x80, v4, vm0, $0xb8;
	[tilespmem:$0x18200] =	vst v63  }
0x8a: {  	s8 =	rddreg [dreg:$0x17]  }
0x8b: {  	[tilespmem:s8], [sflag:$0x1] =	stream.indirect_vreg.gather [hbm4b:s1+s3], $0x80, v3, vm0, $0xb8;
	[tilespmem:$0x18200] =	vst v63  }
0x8c: {  	v3 =	vld [tilespmem:$0x90];
	_ =	sdelay $0x4  }
0x8d: {  	v49 =	vshll.u32 v3, $0x1  }
0x8e: {  	v3 =	vand.u32 $0x7, v3;
	v4 =	vand.u32 $0xFFFFFFF0, v49  }
0x8f: {  	v3 =	vor.u32 v3, v4  }
0x90: {  	v4 =	vperm.xlane v3, v0;
	_ =	sdelay $0x1  }
0x91: {  	v3 =	vperm.xlane v3, v2;
	v4 =	vadd.s32 v1, v4;
	_ =	sdelay $0x1  }
0x92: {  	v3 =	vadd.s32 v1, v3;
	_ =	sdelay $0x1  }
0x93: {  	s0 =	rddreg [dreg:$0x18]  }
0x94: {  	[tilespmem:s0], [sflag:$0x1] =	stream.indirect_vreg.gather [hbm4b:s1+s3], $0x80, v4, vm0, $0xb8;
	[tilespmem:$0x18200] =	vst v63  }
0x95: {  	s8 =	rddreg [dreg:$0x19]  }
0x96: {  	[tilespmem:s8], [sflag:$0x1] =	stream.indirect_vreg.gather [hbm4b:s1+s3], $0x80, v3, vm0, $0xb8;
	[tilespmem:$0x18200] =	vst v63  }
0x97: {  	v3 =	vld [tilespmem:$0xA0];
	_ =	sdelay $0x4  }
0x98: {  	v50 =	vshll.u32 v3, $0x1  }
0x99: {  	v3 =	vand.u32 $0x7, v3;
	v4 =	vand.u32 $0xFFFFFFF0, v50  }
0x9a: {  	v3 =	vor.u32 v3, v4  }
0x9b: {  	v4 =	vperm.xlane v3, v0;
	_ =	sdelay $0x1  }
0x9c: {  	v3 =	vperm.xlane v3, v2;
	v4 =	vadd.s32 v1, v4;
	_ =	sdelay $0x1  }
0x9d: {  	v3 =	vadd.s32 v1, v3;
	_ =	sdelay $0x1  }
0x9e: {  	s0 =	rddreg [dreg:$0x1a]  }
0x9f: {  	[tilespmem:s0], [sflag:$0x1] =	stream.indirect_vreg.gather [hbm4b:s1+s3], $0x80, v4, vm0, $0xb8;
	[tilespmem:$0x18200] =	vst v63  }
0xa0: {  	s8 =	rddreg [dreg:$0x1b]  }
0xa1: {  	[tilespmem:s8], [sflag:$0x1] =	stream.indirect_vreg.gather [hbm4b:s1+s3], $0x80, v3, vm0, $0xb8;
	[tilespmem:$0x18200] =	vst v63  }
0xa2: {  	v3 =	vld [tilespmem:$0xB0];
	_ =	sdelay $0x4  }
0xa3: {  	v51 =	vshll.u32 v3, $0x1  }
0xa4: {  	v3 =	vand.u32 $0x7, v3;
	v4 =	vand.u32 $0xFFFFFFF0, v51  }
0xa5: {  	v3 =	vor.u32 v3, v4  }
0xa6: {  	v4 =	vperm.xlane v3, v0;
	_ =	sdelay $0x1  }
0xa7: {  	v3 =	vperm.xlane v3, v2;
	v4 =	vadd.s32 v1, v4;
	_ =	sdelay $0x1  }
0xa8: {  	v3 =	vadd.s32 v1, v3;
	_ =	sdelay $0x1  }
0xa9: {  	s0 =	rddreg [dreg:$0x1c]  }
0xaa: {  	[tilespmem:s0], [sflag:$0x1] =	stream.indirect_vreg.gather [hbm4b:s1+s3], $0x80, v4, vm0, $0xb8;
	[tilespmem:$0x18200] =	vst v63  }
0xab: {  	s8 =	rddreg [dreg:$0x1d]  }
0xac: {  	[tilespmem:s8], [sflag:$0x1] =	stream.indirect_vreg.gather [hbm4b:s1+s3], $0x80, v3, vm0, $0xb8;
	[tilespmem:$0x18200] =	vst v63  }
0xad: {  	v3 =	vld [tilespmem:$0xC0];
	_ =	sdelay $0x4  }
0xae: {  	v52 =	vshll.u32 v3, $0x1  }
0xaf: {  	v3 =	vand.u32 $0x7, v3;
	v4 =	vand.u32 $0xFFFFFFF0, v52  }
0xb0: {  	v3 =	vor.u32 v3, v4  }
0xb1: {  	v4 =	vperm.xlane v3, v0;
	_ =	sdelay $0x1  }
0xb2: {  	v3 =	vperm.xlane v3, v2;
	v4 =	vadd.s32 v1, v4;
	_ =	sdelay $0x1  }
0xb3: {  	v3 =	vadd.s32 v1, v3;
	_ =	sdelay $0x1  }
0xb4: {  	s8 =	rddreg [dreg:$0x1e]  }
0xb5: {  	[tilespmem:s8], [sflag:$0x1] =	stream.indirect_vreg.gather [hbm4b:s1+s3], $0x80, v4, vm0, $0xb8;
	[tilespmem:$0x18200] =	vst v63  }
0xb6: {  	s8 =	simm.s32 $0xCA00  }
0xb7: {  	[tilespmem:s8], [sflag:$0x1] =	stream.indirect_vreg.gather [hbm4b:s1+s3], $0x80, v3, vm0, $0xb8;
	[tilespmem:$0x18200] =	vst v63  }
0xb8: {  	v3 =	vld [tilespmem:$0xD0];
	_ =	sdelay $0x4  }
0xb9: {  	v53 =	vshll.u32 v3, $0x1  }
0xba: {  	v3 =	vand.u32 $0x7, v3;
	v4 =	vand.u32 $0xFFFFFFF0, v53  }
0xbb: {  	v3 =	vor.u32 v3, v4  }
0xbc: {  	v4 =	vperm.xlane v3, v0;
	_ =	sdelay $0x1  }
0xbd: {  	v3 =	vperm.xlane v3, v2;
	v4 =	vadd.s32 v1, v4;
	_ =	sdelay $0x1  }
0xbe: {  	v3 =	vadd.s32 v1, v3;
	_ =	sdelay $0x2  }
0xbf: {  	[tilespmem:s9], [sflag:$0x1] =	stream.indirect_vreg.gather [hbm4b:s1+s3], $0x80, v4, vm0, $0xb8;
	[tilespmem:$0x18200] =	vst v63  }
0xc0: {  	_ = 	snop  }
0xc1: {  	[tilespmem:s10], [sflag:$0x1] =	stream.indirect_vreg.gather [hbm4b:s1+s3], $0x80, v3, vm0, $0xb8;
	[tilespmem:$0x18200] =	vst v63  }
0xc2: {  	v3 =	vld [tilespmem:$0xE0];
	_ =	sdelay $0x4  }
0xc3: {  	v54 =	vshll.u32 v3, $0x1  }
0xc4: {  	v3 =	vand.u32 $0x7, v3;
	v4 =	vand.u32 $0xFFFFFFF0, v54  }
0xc5: {  	v3 =	vor.u32 v3, v4  }
0xc6: {  	v4 =	vperm.xlane v3, v0;
	_ =	sdelay $0x1  }
0xc7: {  	v3 =	vperm.xlane v3, v2;
	v4 =	vadd.s32 v1, v4;
	_ =	sdelay $0x1  }
0xc8: {  	v3 =	vadd.s32 v1, v3;
	_ =	sdelay $0x2  }
0xc9: {  	[tilespmem:s11], [sflag:$0x1] =	stream.indirect_vreg.gather [hbm4b:s1+s3], $0x80, v4, vm0, $0xb8;
	[tilespmem:$0x18200] =	vst v63  }
0xca: {  	_ = 	snop  }
0xcb: {  	[tilespmem:s12], [sflag:$0x1] =	stream.indirect_vreg.gather [hbm4b:s1+s3], $0x80, v3, vm0, $0xb8;
	[tilespmem:$0x18200] =	vst v63  }
0xcc: {  	v3 =	vld [tilespmem:$0xF0];
	_ =	sdelay $0x4  }
0xcd: {  	v55 =	vshll.u32 v3, $0x1  }
0xce: {  	v3 =	vand.u32 $0x7, v3;
	v4 =	vand.u32 $0xFFFFFFF0, v55  }
0xcf: {  	v3 =	vor.u32 v3, v4  }
0xd0: {  	v4 =	vperm.xlane v3, v0;
	_ =	sdelay $0x1  }
0xd1: {  	v3 =	vperm.xlane v3, v2;
	v4 =	vadd.s32 v1, v4;
	_ =	sdelay $0x1  }
0xd2: {  	v3 =	vadd.s32 v1, v3;
	_ =	sdelay $0x2  }
0xd3: {  	[tilespmem:s13], [sflag:$0x1] =	stream.indirect_vreg.gather [hbm4b:s1+s3], $0x80, v4, vm0, $0xb8;
	[tilespmem:$0x18200] =	vst v63  }
0xd4: {  	_ = 	snop  }
0xd5: {  	[tilespmem:s14], [sflag:$0x1] =	stream.indirect_vreg.gather [hbm4b:s1+s3], $0x80, v3, vm0, $0xb8;
	[tilespmem:$0x18200] =	vst v63  }
0xd6: {  	v3 =	vld [tilespmem:$0x100];
	_ =	sdelay $0x4  }
0xd7: {  	v56 =	vshll.u32 v3, $0x1  }
0xd8: {  	v3 =	vand.u32 $0x7, v3;
	v4 =	vand.u32 $0xFFFFFFF0, v56  }
0xd9: {  	v3 =	vor.u32 v3, v4  }
0xda: {  	v4 =	vperm.xlane v3, v0;
	_ =	sdelay $0x1  }
0xdb: {  	v3 =	vperm.xlane v3, v2;
	v4 =	vadd.s32 v1, v4;
	_ =	sdelay $0x1  }
0xdc: {  	v3 =	vadd.s32 v1, v3;
	_ =	sdelay $0x2  }
0xdd: {  	[tilespmem:s15], [sflag:$0x1] =	stream.indirect_vreg.gather [hbm4b:s1+s3], $0x80, v4, vm0, $0xb8;
	[tilespmem:$0x18200] =	vst v63  }
0xde: {  	_ = 	snop  }
0xdf: {  	[tilespmem:s16], [sflag:$0x1] =	stream.indirect_vreg.gather [hbm4b:s1+s3], $0x80, v3, vm0, $0xb8;
	[tilespmem:$0x18200] =	vst v63  }
0xe0: {  	v3 =	vld [tilespmem:$0x110];
	_ =	sdelay $0x4  }
0xe1: {  	v57 =	vshll.u32 v3, $0x1  }
0xe2: {  	v3 =	vand.u32 $0x7, v3;
	v4 =	vand.u32 $0xFFFFFFF0, v57  }
0xe3: {  	v3 =	vor.u32 v3, v4  }
0xe4: {  	v4 =	vperm.xlane v3, v0;
	_ =	sdelay $0x1  }
0xe5: {  	v3 =	vperm.xlane v3, v2;
	v4 =	vadd.s32 v1, v4;
	_ =	sdelay $0x1  }
0xe6: {  	v3 =	vadd.s32 v1, v3;
	_ =	sdelay $0x2  }
0xe7: {  	[tilespmem:s17], [sflag:$0x1] =	stream.indirect_vreg.gather [hbm4b:s1+s3], $0x80, v4, vm0, $0xb8;
	[tilespmem:$0x18200] =	vst v63  }
0xe8: {  	_ = 	snop  }
0xe9: {  	[tilespmem:s18], [sflag:$0x1] =	stream.indirect_vreg.gather [hbm4b:s1+s3], $0x80, v3, vm0, $0xb8;
	[tilespmem:$0x18200] =	vst v63  }
0xea: {  	v3 =	vld [tilespmem:$0x120];
	_ =	sdelay $0x4  }
0xeb: {  	v58 =	vshll.u32 v3, $0x1  }
0xec: {  	v3 =	vand.u32 $0x7, v3;
	v4 =	vand.u32 $0xFFFFFFF0, v58  }
0xed: {  	v3 =	vor.u32 v3, v4  }
0xee: {  	v4 =	vperm.xlane v3, v0;
	_ =	sdelay $0x1  }
0xef: {  	v3 =	vperm.xlane v3, v2;
	v4 =	vadd.s32 v1, v4;
	_ =	sdelay $0x1  }
0xf0: {  	v3 =	vadd.s32 v1, v3;
	_ =	sdelay $0x2  }
0xf1: {  	[tilespmem:s19], [sflag:$0x1] =	stream.indirect_vreg.gather [hbm4b:s1+s3], $0x80, v4, vm0, $0xb8;
	[tilespmem:$0x18200] =	vst v63  }
0xf2: {  	_ = 	snop  }
0xf3: {  	[tilespmem:s20], [sflag:$0x1] =	stream.indirect_vreg.gather [hbm4b:s1+s3], $0x80, v3, vm0, $0xb8;
	[tilespmem:$0x18200] =	vst v63  }
0xf4: {  	v3 =	vld [tilespmem:$0x130];
	_ =	sdelay $0x4  }
0xf5: {  	v59 =	vshll.u32 v3, $0x1  }
0xf6: {  	v3 =	vand.u32 $0x7, v3;
	v4 =	vand.u32 $0xFFFFFFF0, v59  }
0xf7: {  	v3 =	vor.u32 v3, v4  }
0xf8: {  	v4 =	vperm.xlane v3, v0;
	_ =	sdelay $0x1  }
0xf9: {  	v3 =	vperm.xlane v3, v2;
	v4 =	vadd.s32 v1, v4;
	_ =	sdelay $0x1  }
0xfa: {  	v3 =	vadd.s32 v1, v3;
	_ =	sdelay $0x2  }
0xfb: {  	[tilespmem:s21], [sflag:$0x1] =	stream.indirect_vreg.gather [hbm4b:s1+s3], $0x80, v4, vm0, $0xb8;
	[tilespmem:$0x18200] =	vst v63  }
0xfc: {  	_ = 	snop  }
0xfd: {  	[tilespmem:s22], [sflag:$0x1] =	stream.indirect_vreg.gather [hbm4b:s1+s3], $0x80, v3, vm0, $0xb8;
	[tilespmem:$0x18200] =	vst v63  }
0xfe: {  	v3 =	vld [tilespmem:$0x140];
	_ =	sdelay $0x4  }
0xff: {  	v60 =	vshll.u32 v3, $0x1  }
0x100: {  	v3 =	vand.u32 $0x7, v3;
	v4 =	vand.u32 $0xFFFFFFF0, v60  }
0x101: {  	v3 =	vor.u32 v3, v4  }
0x102: {  	v4 =	vperm.xlane v3, v0;
	_ =	sdelay $0x1  }
0x103: {  	v3 =	vperm.xlane v3, v2;
	v4 =	vadd.s32 v1, v4;
	_ =	sdelay $0x1  }
0x104: {  	v3 =	vadd.s32 v1, v3;
	_ =	sdelay $0x2  }
0x105: {  	[tilespmem:s23], [sflag:$0x1] =	stream.indirect_vreg.gather [hbm4b:s1+s3], $0x80, v4, vm0, $0xb8;
	[tilespmem:$0x18200] =	vst v63  }
0x106: {  	_ = 	snop  }
0x107: {  	[tilespmem:s24], [sflag:$0x1] =	stream.indirect_vreg.gather [hbm4b:s1+s3], $0x80, v3, vm0, $0xb8;
	[tilespmem:$0x18200] =	vst v63  }
0x108: {  	v3 =	vld [tilespmem:$0x150];
	_ =	sdelay $0x4  }
0x109: {  	v61 =	vshll.u32 v3, $0x1  }
0x10a: {  	v3 =	vand.u32 $0x7, v3;
	v4 =	vand.u32 $0xFFFFFFF0, v61  }
0x10b: {  	v3 =	vor.u32 v3, v4  }
0x10c: {  	v4 =	vperm.xlane v3, v0;
	_ =	sdelay $0x1  }
0x10d: {  	v3 =	vperm.xlane v3, v2;
	v4 =	vadd.s32 v1, v4;
	_ =	sdelay $0x1  }
0x10e: {  	v3 =	vadd.s32 v1, v3;
	_ =	sdelay $0x2  }
0x10f: {  	[tilespmem:s25], [sflag:$0x1] =	stream.indirect_vreg.gather [hbm4b:s1+s3], $0x80, v4, vm0, $0xb8;
	[tilespmem:$0x18200] =	vst v63  }
0x110: {  	_ = 	snop  }
0x111: {  	[tilespmem:s26], [sflag:$0x1] =	stream.indirect_vreg.gather [hbm4b:s1+s3], $0x80, v3, vm0, $0xb8;
	[tilespmem:$0x18200] =	vst v63  }
0x112: {  	v3 =	vld [tilespmem:$0x160];
	_ =	sdelay $0x4  }
0x113: {  	v62 =	vshll.u32 v3, $0x1  }
0x114: {  	v3 =	vand.u32 $0x7, v3;
	v4 =	vand.u32 $0xFFFFFFF0, v62  }
0x115: {  	v3 =	vor.u32 v3, v4  }
0x116: {  	v4 =	vperm.xlane v3, v0;
	_ =	sdelay $0x1  }
0x117: {  	v3 =	vperm.xlane v3, v2;
	v4 =	vadd.s32 v1, v4;
	_ =	sdelay $0x1  }
0x118: {  	v3 =	vadd.s32 v1, v3;
	_ =	sdelay $0x2  }
0x119: {  	[tilespmem:s28], [sflag:$0x1] =	stream.indirect_vreg.gather [hbm4b:s1+s3], $0x80, v4, vm0, $0xb8;
	[tilespmem:$0x18200] =	vst v63  }
0x11a: {  	_ = 	snop  }
0x11b: {  	[tilespmem:s29], [sflag:$0x1] =	stream.indirect_vreg.gather [hbm4b:s1+s3], $0x80, v3, vm0, $0xb8;
	[tilespmem:$0x18200] =	vst v63  }
0x11c: {  	v3 =	vld [tilespmem:$0x170];
	_ =	sdelay $0x4  }
0x11d: {  	v63 =	vshll.u32 v3, $0x1  }
0x11e: {  	v3 =	vand.u32 $0x7, v3;
	v4 =	vand.u32 $0xFFFFFFF0, v63  }
0x11f: {  	v3 =	vor.u32 v3, v4  }
0x120: {  	v4 =	vperm.xlane v3, v0;
	_ =	sdelay $0x1  }
0x121: {  	v3 =	vperm.xlane v3, v2;
	v4 =	vadd.s32 v1, v4;
	_ =	sdelay $0x1  }
0x122: {  	v3 =	vadd.s32 v1, v3;
	_ =	sdelay $0x2  }
0x123: {  	[tilespmem:s30], [sflag:$0x1] =	stream.indirect_vreg.gather [hbm4b:s1+s3], $0x80, v4, vm0, $0xb8;
	[tilespmem:$0x18200] =	vst v63  }
0x124: {  	_ = 	snop  }
0x125: {  	[tilespmem:s31], [sflag:$0x1] =	stream.indirect_vreg.gather [hbm4b:s1+s3], $0x80, v3, vm0, $0xb8;
	[tilespmem:$0x18200] =	vst v63  }
0x126: {  	_ =	swait.ge [sflag:s2], $0x8000  }
0x127: {  	[sflag:s2] =	ssyncset.done $0x0  }
0x128: {  	[sflag:s2] =	ssyncadd.s32 $0xFFFF8000  }
0x129: {  	_ =	swait.ge [sflag:s2], $0x8000  }
0x12a: {  	[sflag:s2] =	ssyncset.done $0x0  }
0x12b: {  	[sflag:s2] =	ssyncadd.s32 $0xFFFF8000  }
0x12c: {  	_ =	swait.ge [sflag:s2], $0x8000  }
0x12d: {  	[sflag:s2] =	ssyncset.done $0x0  }
0x12e: {  	s0 =	rddreg [dreg:$0x5];
	[sflag:s2] =	ssyncadd.s32 $0xFFFF8000  }
0x12f: {  	[hbm4b:s0+s3] =	stream.linear.scatter [tilespmem:s6], [sflag:$0x1], $0x8000, $0x38;
	[tilespmem:$0x18200] =	vst v63  }
0x130: {  	s8 =	rddreg [dreg:$0x6]  }
0x131: {  	[hbm4b:s8+s3] =	stream.linear.scatter [tilespmem:s7], [sflag:$0x1], $0x8000, $0x38;
	[tilespmem:$0x18200] =	vst v63  }
0x132: {  	s0 =	rddreg [dreg:$0x7]  }
0x133: {  	[hbm4b:s0+s3] =	stream.linear.scatter [tilespmem:s15], [sflag:$0x1], $0x8000, $0x38;
	[tilespmem:$0x18200] =	vst v63  }
0x134: {  	_ =	swait.ge [sflag:s2], $0x8000  }
0x135: {  	[sflag:s2] =	ssyncset.done $0x0  }
0x136: {  	[sflag:s2] =	ssyncadd.s32 $0xFFFF8000  }
0x137: {  	p0 =	sne.s32 s4, $0x1;
	_ =	swait.ge [sflag:s2], $0x8000  }
.Ltmp0:
0x138: {  	[sflag:s2] =	ssyncset.done $0x0;
	(pc) =	sbr.rel @p0 .LBB2_1-.Ltmp0, $4  }
0x139: {  	[sflag:s2] =	ssyncadd.s32 $0xFFFF8000  }
0x13a: {  	_ =	swait.ge [sflag:s2], $0x8000  }
0x13b: {  	[sflag:s2] =	ssyncset.done $0x0  }
0x13c: {  	s4 =	sadd.s32 $0xFFFFFFFF, s4;
	[sflag:s2] =	ssyncadd.s32 $0xFFFF8000  }
0x13d: {  	_ =	sfence.sel $0x180000  }
0x13e: {  	[bflag:$0x0] =	sbarrier.arrive $0xFFFF  }
0x13f: {  	_ =	strace $0x90000047  }
0x140: {  	s0 =	stileid.u32;
	[bflag:$0x2] =	sbarrier.arrive $0xFFFF  }
0x141: {  	p0 =	sne.s32 s0, $0x0;
	s0 =	rddreg [dreg:$0x3]  }
0x142: {  	s0 =	sadd.s32 @!p0 $0x100000, s0  }
0x143: {  	[sflag:s0] =	ssyncadd.tile.s32 @!p0 $0x1;
	_ =	shalt  }
.Lfunc_end2:
_tile_overlayer_lowered:
.L_overlay_start_2:
0x144: {  	(tag) =	ssettag $0x2  }
0x145: {  	s0 =	rddreg [dreg:$0x0];
	s2 =	stileid.u32  }
0x146: {  	s1 =	rddreg [dreg:$0x1];
	p0 =	sne.s32 s2, $0x0  }
0x147: {  	s3 =	rddreg [dreg:$0x2];
	[bflag:$0x3] =	sbarrier.arrive $0xFFFF;
	s2 =	simm.s32 @!p0 $0x1C02  }
0x148: {  	[timem:s3], [sflag:s2] =	dma.local @!p0 [hbm:s0], s1  }
0x149: {  	s0 =	simm.s32 @!p0 $0x2  }
0x14a: {  	_ =	swait.ge @!p0 [sflag:s0], s1  }
0x14b: {  	s1 =	ssub.s32 @!p0 $0x0, s1;
	[sflag:s0] =	ssyncset.done @!p0 $0x0  }
0x14c: {  	[sflag:s0] =	ssyncadd.s32 @!p0 s1  }
0x14d: {  	[bflag:$0x3] =	sbarrier.arrive $0xFFFF  }
0x14e: {  	_ =	shalt  }

</sc_bundles>
